<compile_context>
chip_gen: v7x
topology: tpu7x:2x2x1
jax: 0.10.2.dev20260603
libtpu: 0.0.44.dev20260713+nightly
codegen_flags: <defaults>
</compile_context>

<pallas_src>
import functools

import jax
import jax.numpy as jnp
from jax import lax
from jax.experimental import pallas as pl
from jax.experimental.pallas import tpu as pltpu
from jax.experimental.pallas import tpu_sc as plsc

N = 1000000
B = 4096
W = 2 * B - 2
RHO = 0.99
ALPHA = 0.5
NSQ = float(N) ** 2
UPD_SCALE = (1.0 - RHO) * NSQ

ROWS_PER_BLOCK = 128
NUM_BLOCKS = B // ROWS_PER_BLOCK

SCATTER_TILES = 16
UPD_PER_TILE = B // SCATTER_TILES


COPY_BLOCK = 31 * 1024
COPY_LAST = (N - 1) // COPY_BLOCK


def _tc_body(q1_ref, q2_ref, a1_ref, a2_ref, idxb_ref, idxf_ref, sinv_ref,
             xim_ref, last_ref, sa_ref, sr_ref, scopy_ref):
    i = pl.program_id(0)
    scopy_ref[...] = sinv_ref[...]
    rs1 = jnp.sum(q1_ref[...], axis=1)
    rs2 = jnp.sum(q2_ref[...], axis=1)
    rsum = rs1 + rs2
    xim_ref[...] = (0.5 * ALPHA) * (a1_ref[...] + a2_ref[...]) \
        + (0.5 * (1.0 - ALPHA) / W) * rsum

    eq = idxb_ref[...][:, None] == idxf_ref[...][None, :]
    jpos = lax.broadcasted_iota(jnp.int32, (ROWS_PER_BLOCK, B), 1)
    last_ref[...] = jnp.max(jnp.where(eq, jpos, -1), axis=1)

    @pl.when(i == 0)
    def _():
        sa_ref[...] = jnp.zeros_like(sa_ref)
        sr_ref[...] = jnp.zeros_like(sr_ref)

    sa_ref[...] = sa_ref[...] + (jnp.sum(a1_ref[...]) + jnp.sum(a2_ref[...]))
    sr_ref[...] = sr_ref[...] + jnp.sum(rsum)


_tc_call = pl.pallas_call(
    _tc_body,
    grid=(NUM_BLOCKS,),
    in_specs=[
        pl.BlockSpec((ROWS_PER_BLOCK, W), lambda i: (i, 0)),
        pl.BlockSpec((ROWS_PER_BLOCK, W), lambda i: (i, 0)),
        pl.BlockSpec((ROWS_PER_BLOCK,), lambda i: (i,)),
        pl.BlockSpec((ROWS_PER_BLOCK,), lambda i: (i,)),
        pl.BlockSpec((ROWS_PER_BLOCK,), lambda i: (i,)),
        pl.BlockSpec((B,), lambda i: (0,)),
        pl.BlockSpec((COPY_BLOCK,), lambda i: (jnp.minimum(i, COPY_LAST),)),
    ],
    out_specs=[
        pl.BlockSpec((ROWS_PER_BLOCK,), lambda i: (i,)),
        pl.BlockSpec((ROWS_PER_BLOCK,), lambda i: (i,)),
        pl.BlockSpec((1, 1), lambda i: (0, 0)),
        pl.BlockSpec((1, 1), lambda i: (0, 0)),
        pl.BlockSpec((COPY_BLOCK,), lambda i: (jnp.minimum(i, COPY_LAST),)),
    ],
    out_shape=[
        jax.ShapeDtypeStruct((B,), jnp.float32),
        jax.ShapeDtypeStruct((B,), jnp.int32),
        jax.ShapeDtypeStruct((1, 1), jnp.float32),
        jax.ShapeDtypeStruct((1, 1), jnp.float32),
        jax.ShapeDtypeStruct((N,), jnp.float32),
    ],
    compiler_params=pltpu.CompilerParams(
        dimension_semantics=("arbitrary",),
    ),
)


@functools.cache
def _make_sc_scatter():
    return functools.partial(
        pl.kernel,
        mesh=plsc.VectorSubcoreMesh(core_axis_name="c", subcore_axis_name="s",
                                    num_cores=1),
        out_type=(),
        scratch_types=[
            pltpu.VMEM((UPD_PER_TILE,), jnp.int32),
            pltpu.VMEM((UPD_PER_TILE,), jnp.int32),
            pltpu.VMEM((UPD_PER_TILE,), jnp.float32),
            pltpu.VMEM((UPD_PER_TILE,), jnp.float32),
            pltpu.VMEM((UPD_PER_TILE,), jnp.float32),
            pltpu.SemaphoreType.DMA,
            pltpu.SemaphoreType.DMA,
            pltpu.SemaphoreType.DMA,
            pltpu.SemaphoreType.DMA,
            pltpu.SemaphoreType.DMA,
        ],
        compiler_params=pltpu.CompilerParams(needs_layout_passes=False),
    )(_sc_scatter_body)


def _sc_scatter_body(out_ref, s_inv_hbm, idx_hbm, xim_hbm, last_hbm,
                     idx_v, last_v, ximf_v, sold_v, vals_v,
                     sem_i, sem_l, sem_x, sem_s, sem_o):
    wid = lax.axis_index("s")
    pos = pl.multiple_of(wid * UPD_PER_TILE, 8)

    cp_i = pltpu.async_copy(idx_hbm.at[pl.ds(pos, UPD_PER_TILE)], idx_v,
                            sem_i)
    cp_l = pltpu.async_copy(last_hbm.at[pl.ds(pos, UPD_PER_TILE)], last_v,
                            sem_l)
    cp_i.wait()
    cp_s = pltpu.async_copy(s_inv_hbm.at[idx_v], sold_v, sem_s)
    cp_l.wait()
    cp_x = pltpu.async_copy(xim_hbm.at[last_v], ximf_v, sem_x)
    cp_s.wait()
    cp_x.wait()

    for k in range(UPD_PER_TILE // 16):
        sl = pl.ds(k * 16, 16)
        vals_v[sl] = RHO * sold_v[sl] + UPD_SCALE * ximf_v[sl]

    pltpu.async_copy(vals_v, out_ref.at[idx_v], sem_o).wait()


def kernel(q_attr_1, q_attr_2, q_rep_1, q_rep_2, feats_idx, s_inv,
           E_attr, E_rep):
    xim, last, sa, sr, buf = _tc_call(q_rep_1, q_rep_2, q_attr_1, q_attr_2,
                                      feats_idx, feats_idx, s_inv)
    ref = jax.new_ref(buf)
    _make_sc_scatter()(ref, s_inv, feats_idx, xim, last)
    s_inv_new = ref[...]
    w = NSQ / (NSQ + 2.0 * B * 100000.0)
    E_attr_new = (1.0 - w) * E_attr + (w / (2.0 * B)) * sa.reshape(1)
    E_rep_new = (1.0 - w) * E_rep + (w / (2.0 * B * W)) * sr.reshape(1)
    return (s_inv_new, E_attr_new, E_rep_new)

# --- scband reference (transcript-rebuilt; emitter-appended) ---
"""Pipeline reference for scband-saclbase-14345190768905 (READ-ONLY COPY).

The authoritative reference and input builder live on the scoring server;
editing this copy changes nothing except your own understanding.
"""

import jax, jax.numpy as jnp
import numpy as np

N = 1000000
B = 4096
RHO = 0.99
ALPHA = 0.5
S_INIT = 1.0


def setup_inputs(seed: int = 0) -> dict:
    key = jax.random.key(seed)
    k1, k2, k3, k4, k5 = jax.random.split(key, 5)
    return {
        "q_attr_1": jax.random.uniform(k1, (B,), dtype=jnp.float32),
        "q_attr_2": jax.random.uniform(k2, (B,), dtype=jnp.float32),
        "q_rep_1": jax.random.uniform(k3, (B, 2 * B - 2), dtype=jnp.float32),
        "q_rep_2": jax.random.uniform(k4, (B, 2 * B - 2), dtype=jnp.float32),
        "feats_idx": jax.random.randint(k5, (B,), 0, N, dtype=jnp.int32),
        "s_inv": jnp.zeros((N,), dtype=jnp.float32) + 1.0 / S_INIT,
        "E_attr": jnp.zeros((1,), dtype=jnp.float32),
        "E_rep": jnp.zeros((1,), dtype=jnp.float32),
    }


def reference(q_attr_1, q_attr_2, q_rep_1, q_rep_2, feats_idx, s_inv, E_attr, E_rep):
    Bf = float(q_attr_1.shape[0])
    Nf = float(N)
    E_attr_1 = q_attr_1
    E_attr_2 = q_attr_2
    E_rep_1 = jnp.sum(q_rep_1, axis=1) / (2.0 * Bf - 2.0)
    E_rep_2 = jnp.sum(q_rep_2, axis=1) / (2.0 * Bf - 2.0)
    xi_div_omega_1 = ALPHA * E_attr_1 + (1.0 - ALPHA) * E_rep_1
    xi_div_omega_2 = ALPHA * E_attr_2 + (1.0 - ALPHA) * E_rep_2
    s_old = jnp.take(s_inv, feats_idx, axis=0)
    s_inv_1 = RHO * s_old + (1.0 - RHO) * (Nf ** 2) * xi_div_omega_1
    s_inv_2 = RHO * s_old + (1.0 - RHO) * (Nf ** 2) * xi_div_omega_2
    s_inv_new = s_inv.at[feats_idx].set((s_inv_1 + s_inv_2) / 2.0)
    w = Nf ** 2 / (Nf ** 2 + 2.0 * Bf * 100000.0)
    E_attr_new = (1.0 - w) * E_attr + w * (jnp.mean(E_attr_1) + jnp.mean(E_attr_2)) / 2.0
    E_rep_new = (1.0 - w) * E_rep + w * (jnp.mean(E_rep_1) + jnp.mean(E_rep_2)) / 2.0
    return (s_inv_new, E_attr_new, E_rep_new)

if __name__ == "__main__":
    import jax
    _d = setup_inputs()
    print(jax.jit(kernel)(*tuple(_d.values())))

</pallas_src>

<mosaic_0001>
#map = affine_map<(d0, d1) -> (0)>
module attributes {stable_mosaic.version = 14 : i64} {
  func.func @new_body(%arg0: i32, %arg1: i32, %arg2: memref<1000000xf32, #tpu.memory_space<hbm>>, %arg3: memref<1000000xf32, #tpu.memory_space<hbm>>, %arg4: memref<4096xi32, #tpu.memory_space<hbm>>, %arg5: memref<4096xf32, #tpu.memory_space<hbm>>, %arg6: memref<4096xi32, #tpu.memory_space<hbm>>, %arg7: memref<1000000xf32, #tpu.memory_space<hbm>>, %arg8: memref<256xi32, #tpu.memory_space<vmem>>, %arg9: memref<256xi32, #tpu.memory_space<vmem>>, %arg10: memref<256xf32, #tpu.memory_space<vmem>>, %arg11: memref<256xf32, #tpu.memory_space<vmem>>, %arg12: memref<256xf32, #tpu.memory_space<vmem>>, %arg13: memref<!tpu.dma_semaphore, #tpu.memory_space<semaphore_mem>>, %arg14: memref<!tpu.dma_semaphore, #tpu.memory_space<semaphore_mem>>, %arg15: memref<!tpu.dma_semaphore, #tpu.memory_space<semaphore_mem>>, %arg16: memref<!tpu.dma_semaphore, #tpu.memory_space<semaphore_mem>>, %arg17: memref<!tpu.dma_semaphore, #tpu.memory_space<semaphore_mem>>) attributes {dimension_semantics = [#tpu.dimension_semantics<core_parallel>, #tpu.dimension_semantics<subcore_parallel>], iteration_bounds = array<i64: 1, 16>, scalar_prefetch = 0 : i64, scratch_operands = 10 : i64, tpu.core_type = #tpu.core_type<sc_vector_subcore>, window_params = [{transform_indices = #map}, {transform_indices = #map}, {transform_indices = #map}, {transform_indices = #map}, {transform_indices = #map}, {transform_indices = #map}]} {
    %mul3A = arith.constant 256 : i32
    %mul3A_0 = arith.muli %arg1, %mul3A : i32
    %multiple_of3A = tpu.assume_multiple %mul3A_0, 8 : i32
    %dma_start3A = tpu.memref_slice %arg4[%multiple_of3A] : memref<4096xi32, #tpu.memory_space<hbm>> -> memref<256xi32, #tpu.memory_space<hbm>>
    %dma_start3A_1 = tpu.memref_slice %arg4[%multiple_of3A] : memref<4096xi32, #tpu.memory_space<hbm>> -> memref<256xi32, #tpu.memory_space<hbm>>
    tpu.enqueue_dma source(%dma_start3A_1 : memref<256xi32, #tpu.memory_space<hbm>>) target(%arg8 : memref<256xi32, #tpu.memory_space<vmem>>) target_semaphore(%arg13 : memref<!tpu.dma_semaphore, #tpu.memory_space<semaphore_mem>>)
    %dma_start3A_2 = tpu.memref_slice %arg6[%multiple_of3A] : memref<4096xi32, #tpu.memory_space<hbm>> -> memref<256xi32, #tpu.memory_space<hbm>>
    %dma_start3A_3 = tpu.memref_slice %arg6[%multiple_of3A] : memref<4096xi32, #tpu.memory_space<hbm>> -> memref<256xi32, #tpu.memory_space<hbm>>
    tpu.enqueue_dma source(%dma_start3A_3 : memref<256xi32, #tpu.memory_space<hbm>>) target(%arg9 : memref<256xi32, #tpu.memory_space<vmem>>) target_semaphore(%arg14 : memref<!tpu.dma_semaphore, #tpu.memory_space<semaphore_mem>>)
    %dma_wait3A = tpu.memref_slice %arg4[%multiple_of3A] : memref<4096xi32, #tpu.memory_space<hbm>> -> memref<256xi32, #tpu.memory_space<hbm>>
    %dma_wait3A_4 = tpu.memref_slice %arg4[%multiple_of3A] : memref<4096xi32, #tpu.memory_space<hbm>> -> memref<256xi32, #tpu.memory_space<hbm>>
    tpu.wait_dma2 semaphore(%arg13 : memref<!tpu.dma_semaphore, #tpu.memory_space<semaphore_mem>>) src(%dma_wait3A_4 : memref<256xi32, #tpu.memory_space<hbm>>) dst(%arg8 : memref<256xi32, #tpu.memory_space<vmem>>)
    %dma_start3A_5 = arith.constant 0 : i32
    %dma_start3A_6 = tpu.memref_slice %arg3[%dma_start3A_5] : memref<1000000xf32, #tpu.memory_space<hbm>> -> memref<1000000xf32, #tpu.memory_space<hbm>>
    tpu.enqueue_indirect_dma source(%dma_start3A_6 : memref<1000000xf32, #tpu.memory_space<hbm>>) target(%arg11 : memref<256xf32, #tpu.memory_space<vmem>>) offsets(%arg8 : memref<256xi32, #tpu.memory_space<vmem>>) semaphore(%arg16 : memref<!tpu.dma_semaphore, #tpu.memory_space<semaphore_mem>>)
    %dma_wait3A_7 = tpu.memref_slice %arg6[%multiple_of3A] : memref<4096xi32, #tpu.memory_space<hbm>> -> memref<256xi32, #tpu.memory_space<hbm>>
    %dma_wait3A_8 = tpu.memref_slice %arg6[%multiple_of3A] : memref<4096xi32, #tpu.memory_space<hbm>> -> memref<256xi32, #tpu.memory_space<hbm>>
    tpu.wait_dma2 semaphore(%arg14 : memref<!tpu.dma_semaphore, #tpu.memory_space<semaphore_mem>>) src(%dma_wait3A_8 : memref<256xi32, #tpu.memory_space<hbm>>) dst(%arg9 : memref<256xi32, #tpu.memory_space<vmem>>)
    %dma_start3A_9 = arith.constant 0 : i32
    %dma_start3A_10 = tpu.memref_slice %arg5[%dma_start3A_9] : memref<4096xf32, #tpu.memory_space<hbm>> -> memref<4096xf32, #tpu.memory_space<hbm>>
    tpu.enqueue_indirect_dma source(%dma_start3A_10 : memref<4096xf32, #tpu.memory_space<hbm>>) target(%arg10 : memref<256xf32, #tpu.memory_space<vmem>>) offsets(%arg9 : memref<256xi32, #tpu.memory_space<vmem>>) semaphore(%arg15 : memref<!tpu.dma_semaphore, #tpu.memory_space<semaphore_mem>>)
    %dma_wait3A_11 = arith.constant 0 : i32
    %dma_wait3A_12 = tpu.memref_slice %arg3[%dma_wait3A_11] : memref<1000000xf32, #tpu.memory_space<hbm>> -> memref<1000000xf32, #tpu.memory_space<hbm>>
    tpu.wait_indirect_dma semaphore(%arg16 : memref<!tpu.dma_semaphore, #tpu.memory_space<semaphore_mem>>) src(%dma_wait3A_12 : memref<1000000xf32, #tpu.memory_space<hbm>>) dst(%arg11 : memref<256xf32, #tpu.memory_space<vmem>>)
    %dma_wait3A_13 = arith.constant 0 : i32
    %dma_wait3A_14 = tpu.memref_slice %arg5[%dma_wait3A_13] : memref<4096xf32, #tpu.memory_space<hbm>> -> memref<4096xf32, #tpu.memory_space<hbm>>
    tpu.wait_indirect_dma semaphore(%arg15 : memref<!tpu.dma_semaphore, #tpu.memory_space<semaphore_mem>>) src(%dma_wait3A_14 : memref<4096xf32, #tpu.memory_space<hbm>>) dst(%arg10 : memref<256xf32, #tpu.memory_space<vmem>>)
    %get3A = arith.constant 0 : index
    %get3A_15 = tpu.vector_load %arg11[%get3A] {strides = array<i32>} : memref<256xf32, #tpu.memory_space<vmem>>, vector<16xf32>,
    %mul3A_16 = arith.constant 9.900000e-01 : f32
    %mul3A_17 = vector.broadcast %mul3A_16 : f32 to vector<16xf32>
    %mul3A_18 = arith.mulf %mul3A_17, %get3A_15 : vector<16xf32>
    %get3A_19 = arith.constant 0 : index
    %get3A_20 = tpu.vector_load %arg10[%get3A_19] {strides = array<i32>} : memref<256xf32, #tpu.memory_space<vmem>>, vector<16xf32>,
    %mul3A_21 = arith.constant 1.000000e+10 : f32
    %mul3A_22 = vector.broadcast %mul3A_21 : f32 to vector<16xf32>
    %mul3A_23 = arith.mulf %mul3A_22, %get3A_20 : vector<16xf32>
    %add3A = arith.addf %mul3A_18, %mul3A_23 : vector<16xf32>
    %swap3A = arith.constant 0 : index
    %swap3A_24 = tpu.vector_load %arg12[%swap3A] {strides = array<i32>} : memref<256xf32, #tpu.memory_space<vmem>>, vector<16xf32>,
    tpu.vector_store %arg12[%swap3A], %add3A {strides = array<i32>} : memref<256xf32, #tpu.memory_space<vmem>>, vector<16xf32>,
    %get3A_25 = arith.constant 16 : index
    %get3A_26 = tpu.vector_load %arg11[%get3A_25] {strides = array<i32>} : memref<256xf32, #tpu.memory_space<vmem>>, vector<16xf32>,
    %mul3A_27 = arith.constant 9.900000e-01 : f32
    %mul3A_28 = vector.broadcast %mul3A_27 : f32 to vector<16xf32>
    %mul3A_29 = arith.mulf %mul3A_28, %get3A_26 : vector<16xf32>
    %get3A_30 = arith.constant 16 : index
    %get3A_31 = tpu.vector_load %arg10[%get3A_30] {strides = array<i32>} : memref<256xf32, #tpu.memory_space<vmem>>, vector<16xf32>,
    %mul3A_32 = arith.constant 1.000000e+10 : f32
    %mul3A_33 = vector.broadcast %mul3A_32 : f32 to vector<16xf32>
    %mul3A_34 = arith.mulf %mul3A_33, %get3A_31 : vector<16xf32>
    %add3A_35 = arith.addf %mul3A_29, %mul3A_34 : vector<16xf32>
    %swap3A_36 = arith.constant 16 : index
    %swap3A_37 = tpu.vector_load %arg12[%swap3A_36] {strides = array<i32>} : memref<256xf32, #tpu.memory_space<vmem>>, vector<16xf32>,
    tpu.vector_store %arg12[%swap3A_36], %add3A_35 {strides = array<i32>} : memref<256xf32, #tpu.memory_space<vmem>>, vector<16xf32>,
    %get3A_38 = arith.constant 32 : index
    %get3A_39 = tpu.vector_load %arg11[%get3A_38] {strides = array<i32>} : memref<256xf32, #tpu.memory_space<vmem>>, vector<16xf32>,
    %mul3A_40 = arith.constant 9.900000e-01 : f32
    %mul3A_41 = vector.broadcast %mul3A_40 : f32 to vector<16xf32>
    %mul3A_42 = arith.mulf %mul3A_41, %get3A_39 : vector<16xf32>
    %get3A_43 = arith.constant 32 : index
    %get3A_44 = tpu.vector_load %arg10[%get3A_43] {strides = array<i32>} : memref<256xf32, #tpu.memory_space<vmem>>, vector<16xf32>,
    %mul3A_45 = arith.constant 1.000000e+10 : f32
    %mul3A_46 = vector.broadcast %mul3A_45 : f32 to vector<16xf32>
    %mul3A_47 = arith.mulf %mul3A_46, %get3A_44 : vector<16xf32>
    %add3A_48 = arith.addf %mul3A_42, %mul3A_47 : vector<16xf32>
    %swap3A_49 = arith.constant 32 : index
    %swap3A_50 = tpu.vector_load %arg12[%swap3A_49] {strides = array<i32>} : memref<256xf32, #tpu.memory_space<vmem>>, vector<16xf32>,
    tpu.vector_store %arg12[%swap3A_49], %add3A_48 {strides = array<i32>} : memref<256xf32, #tpu.memory_space<vmem>>, vector<16xf32>,
    %get3A_51 = arith.constant 48 : index
    %get3A_52 = tpu.vector_load %arg11[%get3A_51] {strides = array<i32>} : memref<256xf32, #tpu.memory_space<vmem>>, vector<16xf32>,
    %mul3A_53 = arith.constant 9.900000e-01 : f32
    %mul3A_54 = vector.broadcast %mul3A_53 : f32 to vector<16xf32>
    %mul3A_55 = arith.mulf %mul3A_54, %get3A_52 : vector<16xf32>
    %get3A_56 = arith.constant 48 : index
    %get3A_57 = tpu.vector_load %arg10[%get3A_56] {strides = array<i32>} : memref<256xf32, #tpu.memory_space<vmem>>, vector<16xf32>,
    %mul3A_58 = arith.constant 1.000000e+10 : f32
    %mul3A_59 = vector.broadcast %mul3A_58 : f32 to vector<16xf32>
    %mul3A_60 = arith.mulf %mul3A_59, %get3A_57 : vector<16xf32>
    %add3A_61 = arith.addf %mul3A_55, %mul3A_60 : vector<16xf32>
    %swap3A_62 = arith.constant 48 : index
    %swap3A_63 = tpu.vector_load %arg12[%swap3A_62] {strides = array<i32>} : memref<256xf32, #tpu.memory_space<vmem>>, vector<16xf32>,
    tpu.vector_store %arg12[%swap3A_62], %add3A_61 {strides = array<i32>} : memref<256xf32, #tpu.memory_space<vmem>>, vector<16xf32>,
    %get3A_64 = arith.constant 64 : index
    %get3A_65 = tpu.vector_load %arg11[%get3A_64] {strides = array<i32>} : memref<256xf32, #tpu.memory_space<vmem>>, vector<16xf32>,
    %mul3A_66 = arith.constant 9.900000e-01 : f32
    %mul3A_67 = vector.broadcast %mul3A_66 : f32 to vector<16xf32>
    %mul3A_68 = arith.mulf %mul3A_67, %get3A_65 : vector<16xf32>
    %get3A_69 = arith.constant 64 : index
    %get3A_70 = tpu.vector_load %arg10[%get3A_69] {strides = array<i32>} : memref<256xf32, #tpu.memory_space<vmem>>, vector<16xf32>,
    %mul3A_71 = arith.constant 1.000000e+10 : f32
    %mul3A_72 = vector.broadcast %mul3A_71 : f32 to vector<16xf32>
    %mul3A_73 = arith.mulf %mul3A_72, %get3A_70 : vector<16xf32>
    %add3A_74 = arith.addf %mul3A_68, %mul3A_73 : vector<16xf32>
    %swap3A_75 = arith.constant 64 : index
    %swap3A_76 = tpu.vector_load %arg12[%swap3A_75] {strides = array<i32>} : memref<256xf32, #tpu.memory_space<vmem>>, vector<16xf32>,
    tpu.vector_store %arg12[%swap3A_75], %add3A_74 {strides = array<i32>} : memref<256xf32, #tpu.memory_space<vmem>>, vector<16xf32>,
    %get3A_77 = arith.constant 80 : index
    %get3A_78 = tpu.vector_load %arg11[%get3A_77] {strides = array<i32>} : memref<256xf32, #tpu.memory_space<vmem>>, vector<16xf32>,
    %mul3A_79 = arith.constant 9.900000e-01 : f32
    %mul3A_80 = vector.broadcast %mul3A_79 : f32 to vector<16xf32>
    %mul3A_81 = arith.mulf %mul3A_80, %get3A_78 : vector<16xf32>
    %get3A_82 = arith.constant 80 : index
    %get3A_83 = tpu.vector_load %arg10[%get3A_82] {strides = array<i32>} : memref<256xf32, #tpu.memory_space<vmem>>, vector<16xf32>,
    %mul3A_84 = arith.constant 1.000000e+10 : f32
    %mul3A_85 = vector.broadcast %mul3A_84 : f32 to vector<16xf32>
    %mul3A_86 = arith.mulf %mul3A_85, %get3A_83 : vector<16xf32>
    %add3A_87 = arith.addf %mul3A_81, %mul3A_86 : vector<16xf32>
    %swap3A_88 = arith.constant 80 : index
    %swap3A_89 = tpu.vector_load %arg12[%swap3A_88] {strides = array<i32>} : memref<256xf32, #tpu.memory_space<vmem>>, vector<16xf32>,
    tpu.vector_store %arg12[%swap3A_88], %add3A_87 {strides = array<i32>} : memref<256xf32, #tpu.memory_space<vmem>>, vector<16xf32>,
    %get3A_90 = arith.constant 96 : index
    %get3A_91 = tpu.vector_load %arg11[%get3A_90] {strides = array<i32>} : memref<256xf32, #tpu.memory_space<vmem>>, vector<16xf32>,
    %mul3A_92 = arith.constant 9.900000e-01 : f32
    %mul3A_93 = vector.broadcast %mul3A_92 : f32 to vector<16xf32>
    %mul3A_94 = arith.mulf %mul3A_93, %get3A_91 : vector<16xf32>
    %get3A_95 = arith.constant 96 : index
    %get3A_96 = tpu.vector_load %arg10[%get3A_95] {strides = array<i32>} : memref<256xf32, #tpu.memory_space<vmem>>, vector<16xf32>,
    %mul3A_97 = arith.constant 1.000000e+10 : f32
    %mul3A_98 = vector.broadcast %mul3A_97 : f32 to vector<16xf32>
    %mul3A_99 = arith.mulf %mul3A_98, %get3A_96 : vector<16xf32>
    %add3A_100 = arith.addf %mul3A_94, %mul3A_99 : vector<16xf32>
    %swap3A_101 = arith.constant 96 : index
    %swap3A_102 = tpu.vector_load %arg12[%swap3A_101] {strides = array<i32>} : memref<256xf32, #tpu.memory_space<vmem>>, vector<16xf32>,
    tpu.vector_store %arg12[%swap3A_101], %add3A_100 {strides = array<i32>} : memref<256xf32, #tpu.memory_space<vmem>>, vector<16xf32>,
    %get3A_103 = arith.constant 112 : index
    %get3A_104 = tpu.vector_load %arg11[%get3A_103] {strides = array<i32>} : memref<256xf32, #tpu.memory_space<vmem>>, vector<16xf32>,
    %mul3A_105 = arith.constant 9.900000e-01 : f32
    %mul3A_106 = vector.broadcast %mul3A_105 : f32 to vector<16xf32>
    %mul3A_107 = arith.mulf %mul3A_106, %get3A_104 : vector<16xf32>
    %get3A_108 = arith.constant 112 : index
    %get3A_109 = tpu.vector_load %arg10[%get3A_108] {strides = array<i32>} : memref<256xf32, #tpu.memory_space<vmem>>, vector<16xf32>,
    %mul3A_110 = arith.constant 1.000000e+10 : f32
    %mul3A_111 = vector.broadcast %mul3A_110 : f32 to vector<16xf32>
    %mul3A_112 = arith.mulf %mul3A_111, %get3A_109 : vector<16xf32>
    %add3A_113 = arith.addf %mul3A_107, %mul3A_112 : vector<16xf32>
    %swap3A_114 = arith.constant 112 : index
    %swap3A_115 = tpu.vector_load %arg12[%swap3A_114] {strides = array<i32>} : memref<256xf32, #tpu.memory_space<vmem>>, vector<16xf32>,
    tpu.vector_store %arg12[%swap3A_114], %add3A_113 {strides = array<i32>} : memref<256xf32, #tpu.memory_space<vmem>>, vector<16xf32>,
    %get3A_116 = arith.constant 128 : index
    %get3A_117 = tpu.vector_load %arg11[%get3A_116] {strides = array<i32>} : memref<256xf32, #tpu.memory_space<vmem>>, vector<16xf32>,
    %mul3A_118 = arith.constant 9.900000e-01 : f32
    %mul3A_119 = vector.broadcast %mul3A_118 : f32 to vector<16xf32>
    %mul3A_120 = arith.mulf %mul3A_119, %get3A_117 : vector<16xf32>
    %get3A_121 = arith.constant 128 : index
    %get3A_122 = tpu.vector_load %arg10[%get3A_121] {strides = array<i32>} : memref<256xf32, #tpu.memory_space<vmem>>, vector<16xf32>,
    %mul3A_123 = arith.constant 1.000000e+10 : f32
    %mul3A_124 = vector.broadcast %mul3A_123 : f32 to vector<16xf32>
    %mul3A_125 = arith.mulf %mul3A_124, %get3A_122 : vector<16xf32>
    %add3A_126 = arith.addf %mul3A_120, %mul3A_125 : vector<16xf32>
    %swap3A_127 = arith.constant 128 : index
    %swap3A_128 = tpu.vector_load %arg12[%swap3A_127] {strides = array<i32>} : memref<256xf32, #tpu.memory_space<vmem>>, vector<16xf32>,
    tpu.vector_store %arg12[%swap3A_127], %add3A_126 {strides = array<i32>} : memref<256xf32, #tpu.memory_space<vmem>>, vector<16xf32>,
    %get3A_129 = arith.constant 144 : index
    %get3A_130 = tpu.vector_load %arg11[%get3A_129] {strides = array<i32>} : memref<256xf32, #tpu.memory_space<vmem>>, vector<16xf32>,
    %mul3A_131 = arith.constant 9.900000e-01 : f32
    %mul3A_132 = vector.broadcast %mul3A_131 : f32 to vector<16xf32>
    %mul3A_133 = arith.mulf %mul3A_132, %get3A_130 : vector<16xf32>
    %get3A_134 = arith.constant 144 : index
    %get3A_135 = tpu.vector_load %arg10[%get3A_134] {strides = array<i32>} : memref<256xf32, #tpu.memory_space<vmem>>, vector<16xf32>,
    %mul3A_136 = arith.constant 1.000000e+10 : f32
    %mul3A_137 = vector.broadcast %mul3A_136 : f32 to vector<16xf32>
    %mul3A_138 = arith.mulf %mul3A_137, %get3A_135 : vector<16xf32>
    %add3A_139 = arith.addf %mul3A_133, %mul3A_138 : vector<16xf32>
    %swap3A_140 = arith.constant 144 : index
    %swap3A_141 = tpu.vector_load %arg12[%swap3A_140] {strides = array<i32>} : memref<256xf32, #tpu.memory_space<vmem>>, vector<16xf32>,
    tpu.vector_store %arg12[%swap3A_140], %add3A_139 {strides = array<i32>} : memref<256xf32, #tpu.memory_space<vmem>>, vector<16xf32>,
    %get3A_142 = arith.constant 160 : index
    %get3A_143 = tpu.vector_load %arg11[%get3A_142] {strides = array<i32>} : memref<256xf32, #tpu.memory_space<vmem>>, vector<16xf32>,
    %mul3A_144 = arith.constant 9.900000e-01 : f32
    %mul3A_145 = vector.broadcast %mul3A_144 : f32 to vector<16xf32>
    %mul3A_146 = arith.mulf %mul3A_145, %get3A_143 : vector<16xf32>
    %get3A_147 = arith.constant 160 : index
    %get3A_148 = tpu.vector_load %arg10[%get3A_147] {strides = array<i32>} : memref<256xf32, #tpu.memory_space<vmem>>, vector<16xf32>,
    %mul3A_149 = arith.constant 1.000000e+10 : f32
    %mul3A_150 = vector.broadcast %mul3A_149 : f32 to vector<16xf32>
    %mul3A_151 = arith.mulf %mul3A_150, %get3A_148 : vector<16xf32>
    %add3A_152 = arith.addf %mul3A_146, %mul3A_151 : vector<16xf32>
    %swap3A_153 = arith.constant 160 : index
    %swap3A_154 = tpu.vector_load %arg12[%swap3A_153] {strides = array<i32>} : memref<256xf32, #tpu.memory_space<vmem>>, vector<16xf32>,
    tpu.vector_store %arg12[%swap3A_153], %add3A_152 {strides = array<i32>} : memref<256xf32, #tpu.memory_space<vmem>>, vector<16xf32>,
    %get3A_155 = arith.constant 176 : index
    %get3A_156 = tpu.vector_load %arg11[%get3A_155] {strides = array<i32>} : memref<256xf32, #tpu.memory_space<vmem>>, vector<16xf32>,
    %mul3A_157 = arith.constant 9.900000e-01 : f32
    %mul3A_158 = vector.broadcast %mul3A_157 : f32 to vector<16xf32>
    %mul3A_159 = arith.mulf %mul3A_158, %get3A_156 : vector<16xf32>
    %get3A_160 = arith.constant 176 : index
    %get3A_161 = tpu.vector_load %arg10[%get3A_160] {strides = array<i32>} : memref<256xf32, #tpu.memory_space<vmem>>, vector<16xf32>,
    %mul3A_162 = arith.constant 1.000000e+10 : f32
    %mul3A_163 = vector.broadcast %mul3A_162 : f32 to vector<16xf32>
    %mul3A_164 = arith.mulf %mul3A_163, %get3A_161 : vector<16xf32>
    %add3A_165 = arith.addf %mul3A_159, %mul3A_164 : vector<16xf32>
    %swap3A_166 = arith.constant 176 : index
    %swap3A_167 = tpu.vector_load %arg12[%swap3A_166] {strides = array<i32>} : memref<256xf32, #tpu.memory_space<vmem>>, vector<16xf32>,
    tpu.vector_store %arg12[%swap3A_166], %add3A_165 {strides = array<i32>} : memref<256xf32, #tpu.memory_space<vmem>>, vector<16xf32>,
    %get3A_168 = arith.constant 192 : index
    %get3A_169 = tpu.vector_load %arg11[%get3A_168] {strides = array<i32>} : memref<256xf32, #tpu.memory_space<vmem>>, vector<16xf32>,
    %mul3A_170 = arith.constant 9.900000e-01 : f32
    %mul3A_171 = vector.broadcast %mul3A_170 : f32 to vector<16xf32>
    %mul3A_172 = arith.mulf %mul3A_171, %get3A_169 : vector<16xf32>
    %get3A_173 = arith.constant 192 : index
    %get3A_174 = tpu.vector_load %arg10[%get3A_173] {strides = array<i32>} : memref<256xf32, #tpu.memory_space<vmem>>, vector<16xf32>,
    %mul3A_175 = arith.constant 1.000000e+10 : f32
    %mul3A_176 = vector.broadcast %mul3A_175 : f32 to vector<16xf32>
    %mul3A_177 = arith.mulf %mul3A_176, %get3A_174 : vector<16xf32>
    %add3A_178 = arith.addf %mul3A_172, %mul3A_177 : vector<16xf32>
    %swap3A_179 = arith.constant 192 : index
    %swap3A_180 = tpu.vector_load %arg12[%swap3A_179] {strides = array<i32>} : memref<256xf32, #tpu.memory_space<vmem>>, vector<16xf32>,
    tpu.vector_store %arg12[%swap3A_179], %add3A_178 {strides = array<i32>} : memref<256xf32, #tpu.memory_space<vmem>>, vector<16xf32>,
    %get3A_181 = arith.constant 208 : index
    %get3A_182 = tpu.vector_load %arg11[%get3A_181] {strides = array<i32>} : memref<256xf32, #tpu.memory_space<vmem>>, vector<16xf32>,
    %mul3A_183 = arith.constant 9.900000e-01 : f32
    %mul3A_184 = vector.broadcast %mul3A_183 : f32 to vector<16xf32>
    %mul3A_185 = arith.mulf %mul3A_184, %get3A_182 : vector<16xf32>
    %get3A_186 = arith.constant 208 : index
    %get3A_187 = tpu.vector_load %arg10[%get3A_186] {strides = array<i32>} : memref<256xf32, #tpu.memory_space<vmem>>, vector<16xf32>,
    %mul3A_188 = arith.constant 1.000000e+10 : f32
    %mul3A_189 = vector.broadcast %mul3A_188 : f32 to vector<16xf32>
    %mul3A_190 = arith.mulf %mul3A_189, %get3A_187 : vector<16xf32>
    %add3A_191 = arith.addf %mul3A_185, %mul3A_190 : vector<16xf32>
    %swap3A_192 = arith.constant 208 : index
    %swap3A_193 = tpu.vector_load %arg12[%swap3A_192] {strides = array<i32>} : memref<256xf32, #tpu.memory_space<vmem>>, vector<16xf32>,
    tpu.vector_store %arg12[%swap3A_192], %add3A_191 {strides = array<i32>} : memref<256xf32, #tpu.memory_space<vmem>>, vector<16xf32>,
    %get3A_194 = arith.constant 224 : index
    %get3A_195 = tpu.vector_load %arg11[%get3A_194] {strides = array<i32>} : memref<256xf32, #tpu.memory_space<vmem>>, vector<16xf32>,
    %mul3A_196 = arith.constant 9.900000e-01 : f32
    %mul3A_197 = vector.broadcast %mul3A_196 : f32 to vector<16xf32>
    %mul3A_198 = arith.mulf %mul3A_197, %get3A_195 : vector<16xf32>
    %get3A_199 = arith.constant 224 : index
    %get3A_200 = tpu.vector_load %arg10[%get3A_199] {strides = array<i32>} : memref<256xf32, #tpu.memory_space<vmem>>, vector<16xf32>,
    %mul3A_201 = arith.constant 1.000000e+10 : f32
    %mul3A_202 = vector.broadcast %mul3A_201 : f32 to vector<16xf32>
    %mul3A_203 = arith.mulf %mul3A_202, %get3A_200 : vector<16xf32>
    %add3A_204 = arith.addf %mul3A_198, %mul3A_203 : vector<16xf32>
    %swap3A_205 = arith.constant 224 : index
    %swap3A_206 = tpu.vector_load %arg12[%swap3A_205] {strides = array<i32>} : memref<256xf32, #tpu.memory_space<vmem>>, vector<16xf32>,
    tpu.vector_store %arg12[%swap3A_205], %add3A_204 {strides = array<i32>} : memref<256xf32, #tpu.memory_space<vmem>>, vector<16xf32>,
    %get3A_207 = arith.constant 240 : index
    %get3A_208 = tpu.vector_load %arg11[%get3A_207] {strides = array<i32>} : memref<256xf32, #tpu.memory_space<vmem>>, vector<16xf32>,
    %mul3A_209 = arith.constant 9.900000e-01 : f32
    %mul3A_210 = vector.broadcast %mul3A_209 : f32 to vector<16xf32>
    %mul3A_211 = arith.mulf %mul3A_210, %get3A_208 : vector<16xf32>
    %get3A_212 = arith.constant 240 : index
    %get3A_213 = tpu.vector_load %arg10[%get3A_212] {strides = array<i32>} : memref<256xf32, #tpu.memory_space<vmem>>, vector<16xf32>,
    %mul3A_214 = arith.constant 1.000000e+10 : f32
    %mul3A_215 = vector.broadcast %mul3A_214 : f32 to vector<16xf32>
    %mul3A_216 = arith.mulf %mul3A_215, %get3A_213 : vector<16xf32>
    %add3A_217 = arith.addf %mul3A_211, %mul3A_216 : vector<16xf32>
    %swap3A_218 = arith.constant 240 : index
    %swap3A_219 = tpu.vector_load %arg12[%swap3A_218] {strides = array<i32>} : memref<256xf32, #tpu.memory_space<vmem>>, vector<16xf32>,
    tpu.vector_store %arg12[%swap3A_218], %add3A_217 {strides = array<i32>} : memref<256xf32, #tpu.memory_space<vmem>>, vector<16xf32>,
    %dma_start3A_220 = arith.constant 0 : i32
    %dma_start3A_221 = tpu.memref_slice %arg2[%dma_start3A_220] : memref<1000000xf32, #tpu.memory_space<hbm>> -> memref<1000000xf32, #tpu.memory_space<hbm>>
    tpu.enqueue_indirect_dma source(%arg12 : memref<256xf32, #tpu.memory_space<vmem>>) target(%dma_start3A_221 : memref<1000000xf32, #tpu.memory_space<hbm>>) offsets(%arg8 : memref<256xi32, #tpu.memory_space<vmem>>) semaphore(%arg17 : memref<!tpu.dma_semaphore, #tpu.memory_space<semaphore_mem>>)
    %dma_wait3A_222 = arith.constant 0 : i32
    %dma_wait3A_223 = tpu.memref_slice %arg2[%dma_wait3A_222] : memref<1000000xf32, #tpu.memory_space<hbm>> -> memref<1000000xf32, #tpu.memory_space<hbm>>
    tpu.wait_indirect_dma semaphore(%arg17 : memref<!tpu.dma_semaphore, #tpu.memory_space<semaphore_mem>>) src(%arg12 : memref<256xf32, #tpu.memory_space<vmem>>) dst(%dma_wait3A_223 : memref<1000000xf32, #tpu.memory_space<hbm>>)
    return
  }
}

module attributes {stable_mosaic.version = 14 : i64} {
  func.func @_tc_body(%arg0: i32, %arg1: memref<128x8190xf32, #tpu.memory_space<vmem>>, %arg2: memref<128x8190xf32, #tpu.memory_space<vmem>>, %arg3: memref<128xf32, #tpu.memory_space<vmem>>, %arg4: memref<128xf32, #tpu.memory_space<vmem>>, %arg5: memref<128xi32, #tpu.memory_space<vmem>>, %arg6: memref<4096xi32, #tpu.memory_space<vmem>>, %arg7: memref<31744xf32, #tpu.memory_space<vmem>>, %arg8: memref<128xf32, #tpu.memory_space<vmem>>, %arg9: memref<128xi32, #tpu.memory_space<vmem>>, %arg10: memref<1x1xf32, #tpu.memory_space<vmem>>, %arg11: memref<1x1xf32, #tpu.memory_space<vmem>>, %arg12: memref<31744xf32, #tpu.memory_space<vmem>>) attributes {dimension_semantics = [#tpu.dimension_semantics<arbitrary>], iteration_bounds = array<i64: 32>, scalar_prefetch = 0 : i64, scratch_operands = 0 : i64, tpu.core_type = #tpu.core_type<tc>, window_params = [{transform_indices = @transform_0, window_bounds = array<i64: 128, 8190>}, {transform_indices = @transform_1, window_bounds = array<i64: 128, 8190>}, {transform_indices = @transform_2, window_bounds = array<i64: 128>}, {transform_indices = @transform_3, window_bounds = array<i64: 128>}, {transform_indices = @transform_4, window_bounds = array<i64: 128>}, {pipeline_mode = #tpu.pipeline_mode<synchronous>, transform_indices = @transform_5, window_bounds = array<i64: 4096>}, {transform_indices = @transform_6, window_bounds = array<i64: 31744>}, {transform_indices = @transform_7, window_bounds = array<i64: 128>}, {transform_indices = @transform_8, window_bounds = array<i64: 128>}, {pipeline_mode = #tpu.pipeline_mode<synchronous>, transform_indices = @transform_9, window_bounds = array<i64: 1, 1>}, {pipeline_mode = #tpu.pipeline_mode<synchronous>, transform_indices = @transform_10, window_bounds = array<i64: 1, 1>}, {transform_indices = @transform_11, window_bounds = array<i64: 31744>}]} {
    %get3A = arith.constant 0 : index
    %get3A_0 = vector.load %arg7[%get3A] : memref<31744xf32, #tpu.memory_space<vmem>>, vector<31744xf32>
    %swap3A = arith.constant 0 : index
    %swap3A_1 = vector.load %arg12[%swap3A] : memref<31744xf32, #tpu.memory_space<vmem>>, vector<31744xf32>
    tpu.vector_store %arg12[%swap3A], %get3A_0 {strides = array<i32>} : memref<31744xf32, #tpu.memory_space<vmem>>, vector<31744xf32>,
    %get3A_2 = arith.constant 0 : index
    %get3A_3 = arith.constant 0 : index
    %get3A_4 = vector.load %arg1[%get3A_2, %get3A_3] : memref<128x8190xf32, #tpu.memory_space<vmem>>, vector<128x8190xf32>
    %reduce_sum3A = arith.constant dense<0.000000e+00> : vector<128xf32>
    %reduce_sum3A_5 = vector.multi_reduction <add>, %get3A_4, %reduce_sum3A [1] : vector<128x8190xf32> to vector<128xf32>
    %get3A_6 = arith.constant 0 : index
    %get3A_7 = arith.constant 0 : index
    %get3A_8 = vector.load %arg2[%get3A_6, %get3A_7] : memref<128x8190xf32, #tpu.memory_space<vmem>>, vector<128x8190xf32>
    %reduce_sum3A_9 = arith.constant dense<0.000000e+00> : vector<128xf32>
    %reduce_sum3A_10 = vector.multi_reduction <add>, %get3A_8, %reduce_sum3A_9 [1] : vector<128x8190xf32> to vector<128xf32>
    %add3A = arith.addf %reduce_sum3A_5, %reduce_sum3A_10 : vector<128xf32>
    %get3A_11 = arith.constant 0 : index
    %get3A_12 = vector.load %arg3[%get3A_11] : memref<128xf32, #tpu.memory_space<vmem>>, vector<128xf32>
    %get3A_13 = arith.constant 0 : index
    %get3A_14 = vector.load %arg4[%get3A_13] : memref<128xf32, #tpu.memory_space<vmem>>, vector<128xf32>
    %add3A_15 = arith.addf %get3A_12, %get3A_14 : vector<128xf32>
    %mul3A = arith.constant 2.500000e-01 : f32
    %mul3A_16 = vector.broadcast %mul3A : f32 to vector<128xf32>
    %mul3A_17 = arith.mulf %mul3A_16, %add3A_15 : vector<128xf32>
    %mul3A_18 = arith.constant 3.05250323E-5 : f32
    %mul3A_19 = vector.broadcast %mul3A_18 : f32 to vector<128xf32>
    %mul3A_20 = arith.mulf %mul3A_19, %add3A : vector<128xf32>
    %add3A_21 = arith.addf %mul3A_17, %mul3A_20 : vector<128xf32>
    %swap3A_22 = arith.constant 0 : index
    %swap3A_23 = vector.load %arg8[%swap3A_22] : memref<128xf32, #tpu.memory_space<vmem>>, vector<128xf32>
    tpu.vector_store %arg8[%swap3A_22], %add3A_21 {strides = array<i32>} : memref<128xf32, #tpu.memory_space<vmem>>, vector<128xf32>,
    %get3A_24 = arith.constant 0 : index
    %get3A_25 = vector.load %arg5[%get3A_24] : memref<128xi32, #tpu.memory_space<vmem>>, vector<128xi32>
    %broadcast_in_dim3A = vector.shape_cast %get3A_25 : vector<128xi32> to vector<128x1xi32>
    %get3A_26 = arith.constant 0 : index
    %get3A_27 = vector.load %arg6[%get3A_26] : memref<4096xi32, #tpu.memory_space<vmem>>, vector<4096xi32>
    %broadcast_in_dim3A_28 = vector.shape_cast %get3A_27 : vector<4096xi32> to vector<1x4096xi32>
    %eq3A = vector.broadcast %broadcast_in_dim3A : vector<128x1xi32> to vector<128x4096xi32>
    %eq3A_29 = vector.broadcast %broadcast_in_dim3A_28 : vector<1x4096xi32> to vector<128x4096xi32>
    %eq3A_30 = arith.cmpi eq, %eq3A, %eq3A_29 : vector<128x4096xi32>
    %iota3A = tpu.iota {dimensions = array<i32: 1>} : vector<128x4096xi32>
    %jit3A = arith.constant -1 : i32
    %broadcast_in_dim3A_31 = vector.broadcast %jit3A : i32 to vector<128x4096xi32>
    %select_n3A = arith.select %eq3A_30, %iota3A, %broadcast_in_dim3A_31 : vector<128x4096xi1>, vector<128x4096xi32>
    %reduce_max3A = arith.constant dense<-2147483648> : vector<128xi32>
    %reduce_max3A_32 = vector.multi_reduction <maxsi>, %select_n3A, %reduce_max3A [1] : vector<128x4096xi32> to vector<128xi32>
    %swap3A_33 = arith.constant 0 : index
    %swap3A_34 = vector.load %arg9[%swap3A_33] : memref<128xi32, #tpu.memory_space<vmem>>, vector<128xi32>
    tpu.vector_store %arg9[%swap3A_33], %reduce_max3A_32 {strides = array<i32>} : memref<128xi32, #tpu.memory_space<vmem>>, vector<128xi32>,
    %eq3A_35 = arith.constant 0 : i32
    %eq3A_36 = arith.cmpi eq, %arg0, %eq3A_35 : i32
    %convert_element_type3A = arith.extui %eq3A_36 : i1 to i32
    %cond3A = arith.constant 0 : i32
    %cond3A_37 = arith.cmpi ne, %convert_element_type3A, %cond3A : i32
    scf.if %cond3A_37 {
      %broadcast_in_dim3A_74 = arith.constant 0.000000e+00 : f32
      %broadcast_in_dim3A_75 = vector.broadcast %broadcast_in_dim3A_74 : f32 to vector<1x1xf32>
      %swap3A_76 = arith.constant 0 : index
      %swap3A_77 = arith.constant 0 : index
      %swap3A_78 = vector.load %arg10[%swap3A_76, %swap3A_77] : memref<1x1xf32, #tpu.memory_space<vmem>>, vector<1x1xf32>
      tpu.vector_store %arg10[%swap3A_76, %swap3A_77], %broadcast_in_dim3A_75 {strides = array<i32>} : memref<1x1xf32, #tpu.memory_space<vmem>>, vector<1x1xf32>,
      %broadcast_in_dim3A_79 = arith.constant 0.000000e+00 : f32
      %broadcast_in_dim3A_80 = vector.broadcast %broadcast_in_dim3A_79 : f32 to vector<1x1xf32>
      %swap3A_81 = arith.constant 0 : index
      %swap3A_82 = arith.constant 0 : index
      %swap3A_83 = vector.load %arg11[%swap3A_81, %swap3A_82] : memref<1x1xf32, #tpu.memory_space<vmem>>, vector<1x1xf32>
      tpu.vector_store %arg11[%swap3A_81, %swap3A_82], %broadcast_in_dim3A_80 {strides = array<i32>} : memref<1x1xf32, #tpu.memory_space<vmem>>, vector<1x1xf32>,
    } else {
    }
    %get3A_38 = arith.constant 0 : index
    %get3A_39 = arith.constant 0 : index
    %get3A_40 = vector.load %arg10[%get3A_38, %get3A_39] : memref<1x1xf32, #tpu.memory_space<vmem>>, vector<1x1xf32>
    %get3A_41 = arith.constant 0 : index
    %get3A_42 = vector.load %arg3[%get3A_41] : memref<128xf32, #tpu.memory_space<vmem>>, vector<128xf32>
    %reduce_sum3A_43 = vector.shape_cast %get3A_42 : vector<128xf32> to vector<1x128xf32>
    %reduce_sum3A_44 = arith.constant dense<0.000000e+00> : vector<1xf32>
    %reduce_sum3A_45 = vector.multi_reduction <add>, %reduce_sum3A_43, %reduce_sum3A_44 [1] : vector<1x128xf32> to vector<1xf32>
    %reduce_sum3A_46 = vector.shape_cast %reduce_sum3A_45 : vector<1xf32> to vector<1x1xf32>
    %reduce_sum3A_47 = vector.extract %reduce_sum3A_46[0, 0] : f32 from vector<1x1xf32>
    %get3A_48 = arith.constant 0 : index
    %get3A_49 = vector.load %arg4[%get3A_48] : memref<128xf32, #tpu.memory_space<vmem>>, vector<128xf32>
    %reduce_sum3A_50 = vector.shape_cast %get3A_49 : vector<128xf32> to vector<1x128xf32>
    %reduce_sum3A_51 = arith.constant dense<0.000000e+00> : vector<1xf32>
    %reduce_sum3A_52 = vector.multi_reduction <add>, %reduce_sum3A_50, %reduce_sum3A_51 [1] : vector<1x128xf32> to vector<1xf32>
    %reduce_sum3A_53 = vector.shape_cast %reduce_sum3A_52 : vector<1xf32> to vector<1x1xf32>
    %reduce_sum3A_54 = vector.extract %reduce_sum3A_53[0, 0] : f32 from vector<1x1xf32>
    %add3A_55 = arith.addf %reduce_sum3A_47, %reduce_sum3A_54 : f32
    %add3A_56 = vector.broadcast %add3A_55 : f32 to vector<1x1xf32>
    %add3A_57 = arith.addf %get3A_40, %add3A_56 : vector<1x1xf32>
    %swap3A_58 = arith.constant 0 : index
    %swap3A_59 = arith.constant 0 : index
    %swap3A_60 = vector.load %arg10[%swap3A_58, %swap3A_59] : memref<1x1xf32, #tpu.memory_space<vmem>>, vector<1x1xf32>
    tpu.vector_store %arg10[%swap3A_58, %swap3A_59], %add3A_57 {strides = array<i32>} : memref<1x1xf32, #tpu.memory_space<vmem>>, vector<1x1xf32>,
    %get3A_61 = arith.constant 0 : index
    %get3A_62 = arith.constant 0 : index
    %get3A_63 = vector.load %arg11[%get3A_61, %get3A_62] : memref<1x1xf32, #tpu.memory_space<vmem>>, vector<1x1xf32>
    %reduce_sum3A_64 = vector.shape_cast %add3A : vector<128xf32> to vector<1x128xf32>
    %reduce_sum3A_65 = arith.constant dense<0.000000e+00> : vector<1xf32>
    %reduce_sum3A_66 = vector.multi_reduction <add>, %reduce_sum3A_64, %reduce_sum3A_65 [1] : vector<1x128xf32> to vector<1xf32>
    %reduce_sum3A_67 = vector.shape_cast %reduce_sum3A_66 : vector<1xf32> to vector<1x1xf32>
    %reduce_sum3A_68 = vector.extract %reduce_sum3A_67[0, 0] : f32 from vector<1x1xf32>
    %add3A_69 = vector.broadcast %reduce_sum3A_68 : f32 to vector<1x1xf32>
    %add3A_70 = arith.addf %get3A_63, %add3A_69 : vector<1x1xf32>
    %swap3A_71 = arith.constant 0 : index
    %swap3A_72 = arith.constant 0 : index
    %swap3A_73 = vector.load %arg11[%swap3A_71, %swap3A_72] : memref<1x1xf32, #tpu.memory_space<vmem>>, vector<1x1xf32>
    tpu.vector_store %arg11[%swap3A_71, %swap3A_72], %add3A_70 {strides = array<i32>} : memref<1x1xf32, #tpu.memory_space<vmem>>, vector<1x1xf32>,
    return
  }
  func.func @transform_0(%arg0: i32) -> (i32, i32) {
    %c0_i32 = arith.constant 0 : i32
    %c0_i32_0 = arith.constant 0 : i32
    return %arg0, %c0_i32 : i32, i32
  }
  func.func @transform_1(%arg0: i32) -> (i32, i32) {
    %c0_i32 = arith.constant 0 : i32
    %c0_i32_0 = arith.constant 0 : i32
    return %arg0, %c0_i32 : i32, i32
  }
  func.func @transform_2(%arg0: i32) -> i32 {
    %c0_i32 = arith.constant 0 : i32
    return %arg0 : i32
  }
  func.func @transform_3(%arg0: i32) -> i32 {
    %c0_i32 = arith.constant 0 : i32
    return %arg0 : i32
  }
  func.func @transform_4(%arg0: i32) -> i32 {
    %c0_i32 = arith.constant 0 : i32
    return %arg0 : i32
  }
  func.func @transform_5(%arg0: i32) -> i32 {
    %c0_i32 = arith.constant 0 : i32
    %c0_i32_0 = arith.constant 0 : i32
    return %c0_i32 : i32
  }
  func.func @transform_6(%arg0: i32) -> i32 {
    %min3A = arith.constant 31 : i32
    %min3A_0 = arith.minsi %arg0, %min3A : i32
    %c0_i32 = arith.constant 0 : i32
    return %min3A_0 : i32
  }
  func.func @transform_7(%arg0: i32) -> i32 {
    %c0_i32 = arith.constant 0 : i32
    return %arg0 : i32
  }
  func.func @transform_8(%arg0: i32) -> i32 {
    %c0_i32 = arith.constant 0 : i32
    return %arg0 : i32
  }
  func.func @transform_9(%arg0: i32) -> (i32, i32) {
    %c0_i32 = arith.constant 0 : i32
    %c0_i32_0 = arith.constant 0 : i32
    %c0_i32_1 = arith.constant 0 : i32
    return %c0_i32, %c0_i32_0 : i32, i32
  }
  func.func @transform_10(%arg0: i32) -> (i32, i32) {
    %c0_i32 = arith.constant 0 : i32
    %c0_i32_0 = arith.constant 0 : i32
    %c0_i32_1 = arith.constant 0 : i32
    return %c0_i32, %c0_i32_0 : i32, i32
  }
  func.func @transform_11(%arg0: i32) -> i32 {
    %min3A = arith.constant 31 : i32
    %min3A_0 = arith.minsi %arg0, %min3A : i32
    %c0_i32 = arith.constant 0 : i32
    return %min3A_0 : i32
  }
}

</mosaic_0001>

<sc_bundles>
// kernel: kernel.4.cloned.1.call-start
scs
__scs_entry_jumppad:
0x0: {  	(pc) =	sbr.rel $0x88, $3  }
0x1: {  	(tag) =	ssettag $0x0;
	lr =	simm.s32 $0x1  }
0x2: {  	[smem:$0x3F99] =	sst lr;
	_ =	strace $0xD0000000  }
0x3: {  	_ = 	snop  }
0x4: {  	_ = 	snop  }
0x5: {  	_ = 	snop  }
0x6: {  	_ = 	snop  }
0x7: {  	_ = 	snop  }
__scs_overlays_trampoline_lowered:
0x8: {  	[smem:$0x3FA8] =	sst s0  }
0x9: {  	[smem:$0x3FA9] =	sst s1  }
0xa: {  	[smem:$0x3FAA] =	sst s2  }
0xb: {  	[smem:$0x3FAB] =	sst s3  }
0xc: {  	[smem:$0x3FAC] =	sst s4  }
0xd: {  	[smem:$0x3FAD] =	sst s5  }
0xe: {  	[smem:$0x3FAE] =	sst s6  }
0xf: {  	[smem:$0x3FAF] =	sst s7  }
0x10: {  	[smem:$0x3FB0] =	sst s8  }
0x11: {  	[smem:$0x3FB1] =	sst s9;
	s0 =	simm.s32 @!p0 $0x0  }
0x12: {  	s1 =	sld [smem:$0x3F97];
	s0 =	simm.s32 @p0 $0x1  }
0x13: {  	[smem:$0x3FB2] =	sst s0;
	s0 =	simm.s32 @!p1 $0x0  }
0x14: {  	s2 =	sld [smem:$0x3F96];
	s0 =	simm.s32 @p1 $0x1  }
0x15: {  	[smem:$0x3FB3] =	sst s0;
	s0 =	simm.s32 @!p2 $0x0  }
0x16: {  	s3 =	sld [smem:$0x3FDB];
	s0 =	simm.s32 @p2 $0x1  }
0x17: {  	s4 =	simm.s32 $0x1BF5;
	[smem:$0x3FB5] =	sst s0  }
0x18: {  	s0 =	sld [smem:$0x3F98];
	_ =	swait.ge [sflag:s4], $0x0  }
0x19: {  	s7 =	sld [smem:$0x3F99]  }
0x1a: {  	s8 =	sadd.s32 $0xFFFFE003, lr  }
0x1b: {  	s9 =	sadd.s32 $0xFFFFFEF7, lr;
	s5 =	simm.s32 $0xFFFFFFFF;
	p2 =	slt.u32 s8, $0xFFFFF086  }
0x1c: {  	p1 =	slt.u32 s9, $0xF7A;
	s5 =	simm.s32 @!p2 $0x0  }
0x1d: {  	s5 =	simm.s32 @p1 $0x1;
	p0 =	seq.s32 s7, s2  }
0x1e: {  	s7 =	smul.u32 @!p0 $0xF7A, s2;
	p2 =	seq.s32 @!p0 s5, $0x0  }
0x1f: {  	s9 =	smul.u32 $0xF7A, s1;
	s8 =	simm.s32 @!p0 $0x1BF5;
	p2 =	por !p2, p0  }
0x20: {  	[sflag:s8] =	ssyncset.s32 @!p0 $0xFFFFF086;
	s6 =	sadd.s32 @!p0 s3, s7;
	s7 =	simm.s32 @!p0 $0x108  }
0x21: {  	s3 =	sadd.s32 s3, s9;
	s6 =	sadd.s32 @!p0 $0x88, s6;
	s7 =	simm.s32 @p2 $0x1082  }
0x22: {  	[simem:s7], [sflag:s8] =	dma.local @!p0 [hbm:s6], $0xF7A  }
0x23: {  	s9 =	sor.u32 $0xD0000000, s2;
	s6 =	simm.s32 $0x108;
	_ =	swait.ge @!p0 [sflag:s8], $0x0  }
0x24: {  	s3 =	sadd.s32 $0x88, s3;
	s6 =	simm.s32 @!p1 $0x1082;
	[sflag:s4] =	ssyncset.s32 $0xFFFFF086  }
0x25: {  	[simem:s6], [sflag:s4] =	dma.local [hbm:s3], $0xF7A  }
0x26: {  	[smem:$0x3F99] =	sst s1;
	(tag) =	ssettag s2;
	_ =	strace s9  }
0x27: {  	s1 =	sld [smem:$0x3FA9]  }
0x28: {  	s2 =	sld [smem:$0x3FAA]  }
0x29: {  	s4 =	sld [smem:$0x3FAC]  }
0x2a: {  	p0 =	seq.s32 s5, $0x0;
	s5 =	sld [smem:$0x3FAD]  }
0x2b: {  	s6 =	sld [smem:$0x3FAE]  }
0x2c: {  	s7 =	sld [smem:$0x3FAF]  }
0x2d: {  	s3 =	simm.s32 $0x108;
	s8 =	sld [smem:$0x3FB0]  }
0x2e: {  	s3 =	simm.s32 @!p0 $0x1082;
	s9 =	sld [smem:$0x3FB1]  }
0x2f: {  	lr =	sadd.s32 s0, s3;
	s0 =	sld [smem:$0x3FA8]  }
0x30: {  	s3 =	sld [smem:$0x3FAB]  }
0x31: {  	[smem:$0x3FB4] =	sst s10  }
0x32: {  	s10 =	sld [smem:$0x3FB2];
	_ =	sdelay $0x3  }
0x33: {  	p0 =	seq.s32 s10, $0x1;
	s10 =	sld [smem:$0x3FB4];
	_ =	sdelay $0x3  }
0x34: {  	[smem:$0x3FB4] =	sst s10  }
0x35: {  	s10 =	sld [smem:$0x3FB3];
	_ =	sdelay $0x3  }
0x36: {  	p1 =	seq.s32 s10, $0x1;
	s10 =	sld [smem:$0x3FB4];
	_ =	sdelay $0x3  }
0x37: {  	[smem:$0x3FB4] =	sst s10  }
0x38: {  	s10 =	sld [smem:$0x3FB5]  }
0x39: {  	_ = 	snop;
	(pc) =	sbr.ind lr, $3  }
0x3a: {  	_ = 	snop  }
0x3b: {  	_ = 	snop  }
0x3c: {  	p2 =	seq.s32 s10, $0x1;
	s10 =	sld [smem:$0x3FB4]  }
0x3d: {  	_ =	shalt  }
0x3e: {  	_ =	shalt  }
0x3f: {  	_ =	shalt  }
0x40: {  	_ =	shalt  }
0x41: {  	_ =	shalt  }
0x42: {  	_ =	shalt  }
0x43: {  	_ =	shalt  }
0x44: {  	_ =	shalt  }
0x45: {  	_ =	shalt  }
0x46: {  	_ =	shalt  }
0x47: {  	_ =	shalt  }
0x48: {  	_ =	shalt  }
0x49: {  	_ =	shalt  }
0x4a: {  	_ =	shalt  }
0x4b: {  	_ =	shalt  }
0x4c: {  	_ =	shalt  }
0x4d: {  	_ =	shalt  }
0x4e: {  	_ =	shalt  }
0x4f: {  	_ =	shalt  }
0x50: {  	_ =	shalt  }
0x51: {  	_ =	shalt  }
0x52: {  	_ =	shalt  }
0x53: {  	_ =	shalt  }
0x54: {  	_ =	shalt  }
0x55: {  	_ =	shalt  }
0x56: {  	_ =	shalt  }
0x57: {  	_ =	shalt  }
0x58: {  	_ =	shalt  }
0x59: {  	_ =	shalt  }
0x5a: {  	_ =	shalt  }
0x5b: {  	_ =	shalt  }
0x5c: {  	_ =	shalt  }
0x5d: {  	_ =	shalt  }
0x5e: {  	_ =	shalt  }
0x5f: {  	_ =	shalt  }
0x60: {  	_ =	shalt  }
0x61: {  	_ =	shalt  }
0x62: {  	_ =	shalt  }
0x63: {  	_ =	shalt  }
0x64: {  	_ =	shalt  }
0x65: {  	_ =	shalt  }
0x66: {  	_ =	shalt  }
0x67: {  	_ =	shalt  }
0x68: {  	_ =	shalt  }
0x69: {  	_ =	shalt  }
0x6a: {  	_ =	shalt  }
0x6b: {  	_ =	shalt  }
0x6c: {  	_ =	shalt  }
0x6d: {  	_ =	shalt  }
0x6e: {  	_ =	shalt  }
0x6f: {  	_ =	shalt  }
0x70: {  	_ =	shalt  }
0x71: {  	_ =	shalt  }
0x72: {  	_ =	shalt  }
0x73: {  	_ =	shalt  }
0x74: {  	_ =	shalt  }
0x75: {  	_ =	shalt  }
0x76: {  	_ =	shalt  }
0x77: {  	_ =	shalt  }
0x78: {  	_ =	shalt  }
0x79: {  	_ =	shalt  }
0x7a: {  	_ =	shalt  }
0x7b: {  	_ =	shalt  }
0x7c: {  	_ =	shalt  }
0x7d: {  	_ =	shalt  }
0x7e: {  	_ =	shalt  }
0x7f: {  	_ =	shalt  }
0x80: {  	_ =	shalt  }
0x81: {  	_ =	shalt  }
0x82: {  	_ =	shalt  }
0x83: {  	_ =	shalt  }
0x84: {  	_ =	shalt  }
0x85: {  	_ =	shalt  }
0x86: {  	_ =	shalt  }
0x87: {  	_ =	shalt  }
.Lfunc_end0:
.L_simem_size_0:
called_computation_lowered:
.L_overlay_start_0:
0x88: {  	s0 =	sld [smem:$0x3FD9]  }
0x89: {  	s1 =	sld [smem:$0x3FFE];
	_ =	sdelay $0x3  }
0x8a: {  	s0 =	sadd.s32 s1, s0  }
0x8b: {  	[smem:$0x3FC0] =	sst s0  }
0x8c: {  	_ = 	snop  }
0x8d: {  	s0 =	sld [smem:$0x3FD0];
	_ =	sdelay $0x1  }
0x8e: {  	s13 =	sld [smem:$0x3FC5]  }
0x8f: {  	s3 =	simm.s32 $0xA;
	s4 =	simm.s32 $0x10;
	s2 =	sld [smem:$0x3FC4]  }
0x90: {  	[smem:s4], [sflag:s3] =	dma.local [hbm:s0], $0x1  }
0x91: {  	_ =	swait.eq [sflag:s3], $0x1  }
0x92: {  	[sflag:s3] =	ssyncset.done $0x0  }
0x93: {  	[sflag:s3] =	ssyncadd.s32 $0xFFFFFFFF  }
0x94: {  	s14 =	sld [smem:$0x10];
	(tm) =	ssettm $0x1  }
0x95: {  	s15 =	sld [smem:$0x3FFB];
	_ =	sdelay $0x3  }
0x96: {  	_ =	strace s15  }
0x97: {  	s3 =	sld [smem:$0x3FFC];
	_ =	sdelay $0x3  }
0x98: {  	_ =	strace s3  }
0x99: {  	s3 =	sld [smem:$0x3FFD];
	_ =	sdelay $0x3  }
0x9a: {  	_ =	strace s3  }
0x9b: {  	_ =	strace $0x8FFFFFFF  }
0x9c: {  	s16 =	sld [smem:$0x3FDB];
	_ =	sdelay $0x1  }
0x9d: {  	s17 =	simm.s32 $_scs_section_size  }
0x9e: {  	s5 =	simm.s32 $_size__tile_overlayer_lowered;
	s6 =	simm.s32 $_tile_overlayer_lowered  }
0x9f: {  	s20 =	simm.s32 $0x1BFF;
	s19 =	sshll.u32 s6, $0x1;
	s3 =	sadd.s32 s17, s16  }
0xa0: {  	s7 =	simm.s32 $0x0;
	s18 =	sshll.u32 s5, $0x1;
	s5 =	sadd.s32 s19, s3  }
0xa1: {  	[timem:s7], [sflag:s20] =	dma.local [hbm:s5], s18  }
0xa2: {  	_ =	swait.ge [sflag:s20], s18  }
0xa3: {  	s4 =	ssub.s32 $0x0, s18;
	[sflag:s20] =	ssyncset.done $0x0  }
0xa4: {  	[sflag:s20] =	ssyncadd.s32 s4;
	_ =	sdelay $0x1  }
0xa5: {  	s21 =	simm.s32 $0x1B8B  }
0xa6: {  	_ =	swait.ge [sflag:s21], $0x1  }
0xa7: {  	[sflag:s21] =	ssyncset.done $0x0  }
0xa8: {  	s23 =	simm.s32 $0x1B8E;
	s22 =	sld [smem:$0x3FFE];
	[sflag:s21] =	ssyncadd.s32 $0xFFFFFFFF  }
0xa9: {  	s24 =	simm.s32 $execute0_lowered;
	[smem:$0x3FD2] =	sst s23  }
0xaa: {  	s5 =	sshll.u32 s24, $0x1;
	_ =	strace $0x80000046;
	[dreg:$0x1] =	wrdreg $0xFFFFFFFF  }
0xab: {  	s25 =	simm.s32 $_size_execute0_lowered;
	s3 =	sadd.s32 s3, s5;
	[dreg:$0x0] =	wrdreg $0x0  }
0xac: {  	s5 =	sshll.u32 s25, $0x1;
	[dreg:$0x2] =	wrdreg s3  }
0xad: {  	[dreg:$0x3] =	wrdreg s5  }
0xae: {  	[dreg:$0x4] =	wrdreg $0xC0  }
0xaf: {  	_ =	task [dreg:s7], $0x5FFFF  }
0xb0: {  	[dreg:$0x1] =	wrdreg $0xFFFFFFFF  }
0xb1: {  	[dreg:$0x0] =	wrdreg $0x60  }
0xb2: {  	[dreg:$0x2] =	wrdreg s14  }
0xb3: {  	[dreg:$0x3] =	wrdreg s2  }
0xb4: {  	[dreg:$0x4] =	wrdreg s13  }
0xb5: {  	[dreg:$0x5] =	wrdreg s22  }
0xb6: {  	[dreg:$0x6] =	wrdreg $0x9  }
0xb7: {  	_ =	task.clear_ibuf [dreg:s7], $0x7FFFF;
	_ =	strace $0x90000046  }
0xb8: {  	s26 =	simm.s32 $0x9;
	_ =	strace $0x80000048  }
0xb9: {  	_ =	swait.ge [sflag:s26], $0x1  }
0xba: {  	[sflag:s26] =	ssyncadd.s32 $0xFFFFFFFF  }
0xbb: {  	_ =	strace $0x90000048  }
0xbc: {  	_ =	sfence  }
0xbd: {  	s28 =	sld [smem:$0x0];
	_ =	sdelay $0x1  }
0xbe: {  	s29 =	srdreg.scid  }
0xbf: {  	s30 =	sshll.u32 s29, $0xD;
	s31 =	sshrl.u32 s29, $0x2  }
0xc0: {  	s1 =	sand.u32 $0x1, s29;
	s2 =	sand.u32 $0x4000, s30;
	s0 =	sadd.s32 s31, s28  }
0xc1: {  	s1 =	sor.u32 s2, s1;
	s0 =	sshll.u32 s0, $0x11  }
0xc2: {  	s0 =	sor.u32 s0, s1  }
0xc3: {  	s0 =	sadd.s32 $0x8F2B, s0  }
0xc4: {  	[sflag:s0] =	ssyncadd.remote.s32 $0x1  }
0xc5: {  	_ =	sfence.sel $0xFFFF  }
0xc6: {  	[dreg:$0x0] =	wrdreg $0xFFFFFFFF;
	(pc) =	sbr.abs _section_cstart, $3  }
0xc7: {  	[dreg:$0x1] =	wrdreg $0xFFFFFFFF  }
0xc8: {  	_ =	task.clear_ibuf [dreg:s7], $0x2FFFF;
	_ =	strace $0x9FFFFFFF  }
0xc9: {  	(tm) =	ssettm $0x7FFFFFFF  }
tec
execute0_lowered:
.L_overlay_start_1:
0x0: {  	(tag) =	ssettag $0x1  }
0x1: {  	s2 =	rddreg [dreg:$0x0]  }
0x2: {  	s5 =	rddreg [dreg:$0x1]  }
0x3: {  	s4 =	rddreg [dreg:$0x2]  }
0x4: {  	s6 =	rddreg [dreg:$0x3]  }
0x5: {  	s0 =	rddreg [dreg:$0x4];
	s3 =	simm.s32 $0x0;
	s1 =	stileid.u32  }
0x6: {  	[smem:$0x7FF] =	sst s3;
	s7 =	sshll.u32 s1, $0x5  }
0x7: {  	_ =	strace $0x80000047;
	s8 =	sadd.s32 s7, s6;
	s4 =	sadd.s32 s4, s7  }
0x8: {  	[tilespmem:s3], [sflag:$0x1] =	stream.linear.gather [hbm4b:s4+s3], $0x100, $0x38;
	[tilespmem:$0x500] =	vst v63  }
0x9: {  	s22 =	simm.s32 $0x100;
	s23 =	simm.s32 $0x1;
	s21 =	sadd.s32 $0x1400, s8  }
0xa: {  	[tilespmem:s22], [sflag:$0x2] =	stream.linear.gather [hbm4b:s21+s3], $0x100, $0x38;
	[tilespmem:$0x500] =	vst v63  }
0xb: {  	_ =	swait.ge [sflag:s23], $0x100  }
0xc: {  	[sflag:s23] =	ssyncset.done $0x0  }
0xd: {  	s24 =	simm.s32 $0x300;
	s25 =	simm.s32 $0x2;
	[sflag:s23] =	ssyncadd.s32 $0xFFFFFF00  }
0xe: {  	[tilespmem:s24], [sflag:$0x4] =	stream.indirect.gather [hbm4b:s5+s22], $0x1, s3, s22, $0xb8;
	[tilespmem:$0x500] =	vst v63  }
0xf: {  	_ =	swait.ge [sflag:s25], $0x100  }
0x10: {  	s26 =	simm.s32 $0x200;
	[sflag:s25] =	ssyncset.done $0x0  }
0x11: {  	s28 =	simm.s32 $0x4;
	s6 =	sadd.s32 $0x1200, s6;
	[sflag:s25] =	ssyncadd.s32 $0xFFFFFF00  }
0x12: {  	[tilespmem:s26], [sflag:$0x3] =	stream.indirect.gather [hbm4b:s6+s22], $0x1, s22, s22, $0xb8;
	[tilespmem:$0x500] =	vst v63  }
0x13: {  	_ =	swait.ge [sflag:s28], $0x100  }
0x14: {  	[sflag:s28] =	ssyncset.done $0x0  }
0x15: {  	s29 =	simm.s32 $0x3;
	[sflag:s28] =	ssyncadd.s32 $0xFFFFFF00  }
0x16: {  	_ =	swait.ge [sflag:s29], $0x100  }
0x17: {  	[sflag:s29] =	ssyncset.done $0x0  }
0x18: {  	[sflag:s29] =	ssyncadd.s32 $0xFFFFFF00  }
0x19: {  	v0 =	vld [tilespmem:$0x300]  }
0x1a: {  	v1 =	vld [tilespmem:$0x200]  }
0x1b: {  	v2 =	vld [tilespmem:$0x310]  }
0x1c: {  	v3 =	vld [tilespmem:$0x210]  }
0x1d: {  	v4 =	vld [tilespmem:$0x320]  }
0x1e: {  	v5 =	vld [tilespmem:$0x220]  }
0x1f: {  	v6 =	vld [tilespmem:$0x330]  }
0x20: {  	v7 =	vld [tilespmem:$0x230]  }
0x21: {  	v8 =	vld [tilespmem:$0x340]  }
0x22: {  	v9 =	vld [tilespmem:$0x240]  }
0x23: {  	v10 =	vld [tilespmem:$0x350]  }
0x24: {  	v11 =	vld [tilespmem:$0x250]  }
0x25: {  	v12 =	vld [tilespmem:$0x360]  }
0x26: {  	v13 =	vld [tilespmem:$0x260]  }
0x27: {  	v14 =	vld [tilespmem:$0x370]  }
0x28: {  	v15 =	vld [tilespmem:$0x270]  }
0x29: {  	v16 =	vld [tilespmem:$0x380]  }
0x2a: {  	v17 =	vld [tilespmem:$0x280]  }
0x2b: {  	v18 =	vld [tilespmem:$0x390]  }
0x2c: {  	v19 =	vld [tilespmem:$0x290]  }
0x2d: {  	v20 =	vld [tilespmem:$0x3A0]  }
0x2e: {  	v21 =	vld [tilespmem:$0x2A0];
	v0 =	vmul.f32 $9.900000090e-01, v0;
	v1 =	vmul.f32 $1.000000000e+10, v1  }
0x2f: {  	v22 =	vld [tilespmem:$0x3B0];
	v2 =	vmul.f32 $9.900000090e-01, v2;
	v3 =	vmul.f32 $1.000000000e+10, v3  }
0x30: {  	v57 =	vld [tilespmem:$0x2B0];
	v55 =	vmul.f32 $9.900000090e-01, v4;
	v56 =	vmul.f32 $1.000000000e+10, v5;
	v0 =	vadd.f32 v1, v0  }
0x31: {  	v60 =	vld [tilespmem:$0x3C0];
	v58 =	vmul.f32 $9.900000090e-01, v6;
	v59 =	vmul.f32 $1.000000000e+10, v7;
	v2 =	vadd.f32 v3, v2  }
0x32: {  	v23 =	vld [tilespmem:$0x2C0];
	v62 =	vmul.f32 $9.900000090e-01, v8;
	v63 =	vmul.f32 $1.000000000e+10, v9;
	v61 =	vadd.f32 v56, v55;
	[tilespmem:$0x400] =	vst v0  }
0x33: {  	v27 =	vld [tilespmem:$0x3D0];
	v25 =	vmul.f32 $9.900000090e-01, v10;
	v26 =	vmul.f32 $1.000000000e+10, v11;
	v24 =	vadd.f32 v59, v58;
	[tilespmem:$0x410] =	vst v2  }
0x34: {  	v31 =	vld [tilespmem:$0x2D0];
	v29 =	vmul.f32 $9.900000090e-01, v12;
	v30 =	vmul.f32 $1.000000000e+10, v13;
	v28 =	vadd.f32 v63, v62;
	[tilespmem:$0x420] =	vst v61  }
0x35: {  	v35 =	vld [tilespmem:$0x3E0];
	v33 =	vmul.f32 $9.900000090e-01, v14;
	v34 =	vmul.f32 $1.000000000e+10, v15;
	v32 =	vadd.f32 v26, v25;
	[tilespmem:$0x430] =	vst v24  }
0x36: {  	v39 =	vld [tilespmem:$0x2E0];
	v37 =	vmul.f32 $9.900000090e-01, v16;
	v38 =	vmul.f32 $1.000000000e+10, v17;
	v36 =	vadd.f32 v30, v29;
	[tilespmem:$0x440] =	vst v28  }
0x37: {  	v43 =	vld [tilespmem:$0x3F0];
	v41 =	vmul.f32 $9.900000090e-01, v18;
	v42 =	vmul.f32 $1.000000000e+10, v19;
	v40 =	vadd.f32 v34, v33;
	[tilespmem:$0x450] =	vst v32  }
0x38: {  	v47 =	vld [tilespmem:$0x2F0];
	v45 =	vmul.f32 $9.900000090e-01, v20;
	v46 =	vmul.f32 $1.000000000e+10, v21;
	v44 =	vadd.f32 v38, v37;
	[tilespmem:$0x460] =	vst v36  }
0x39: {  	v49 =	vmul.f32 $9.900000090e-01, v22;
	v5 =	vmul.f32 $1.000000000e+10, v57;
	v48 =	vadd.f32 v42, v41;
	[tilespmem:$0x470] =	vst v40  }
0x3a: {  	v51 =	vmul.f32 $9.900000090e-01, v60;
	v52 =	vmul.f32 $1.000000000e+10, v23;
	v50 =	vadd.f32 v46, v45;
	[tilespmem:$0x480] =	vst v44  }
0x3b: {  	v54 =	vmul.f32 $9.900000090e-01, v27;
	v53 =	vadd.f32 v5, v49;
	v55 =	vmul.f32 $1.000000000e+10, v31;
	[tilespmem:$0x490] =	vst v48  }
0x3c: {  	v57 =	vmul.f32 $9.900000090e-01, v35;
	v56 =	vadd.f32 v52, v51;
	v58 =	vmul.f32 $1.000000000e+10, v39;
	[tilespmem:$0x4A0] =	vst v50  }
0x3d: {  	v60 =	vmul.f32 $9.900000090e-01, v43;
	[tilespmem:$0x4B0] =	vst v53;
	v59 =	vadd.f32 v55, v54;
	v61 =	vmul.f32 $1.000000000e+10, v47  }
0x3e: {  	[tilespmem:$0x4C0] =	vst v56;
	v62 =	vadd.f32 v58, v57  }
0x3f: {  	[tilespmem:$0x4D0] =	vst v59;
	v63 =	vadd.f32 v61, v60  }
0x40: {  	[tilespmem:$0x4E0] =	vst v62  }
0x41: {  	s30 =	simm.s32 $0x400;
	s31 =	simm.s32 $0x5;
	[tilespmem:$0x4F0] =	vst v63  }
0x42: {  	[hbm4b:s2+s22] =	stream.indirect.scatter [tilespmem:s30], [sflag:$0x5], $0x1, s3, s22, $0xb8;
	[tilespmem:$0x500] =	vst v63  }
0x43: {  	_ =	swait.ge [sflag:s31], $0x100  }
0x44: {  	[sflag:s31] =	ssyncset.done $0x0  }
0x45: {  	[sflag:s31] =	ssyncadd.s32 $0xFFFFFF00  }
0x46: {  	_ =	sfence.sel $0x180000  }
0x47: {  	[bflag:$0x0] =	sbarrier.arrive $0xFFFF  }
0x48: {  	p0 =	sne.s32 s1, $0x0;
	_ =	strace $0x90000047  }
0x49: {  	s0 =	sadd.s32 @!p0 $0x100000, s0;
	[bflag:$0x2] =	sbarrier.arrive $0xFFFF  }
0x4a: {  	[sflag:s0] =	ssyncadd.tile.s32 @!p0 $0x1;
	_ =	shalt  }
.Lfunc_end2:
_tile_overlayer_lowered:
.L_overlay_start_2:
0x4b: {  	(tag) =	ssettag $0x2  }
0x4c: {  	s0 =	rddreg [dreg:$0x0];
	s2 =	stileid.u32  }
0x4d: {  	s1 =	rddreg [dreg:$0x1];
	p0 =	sne.s32 s2, $0x0  }
0x4e: {  	s3 =	rddreg [dreg:$0x2];
	[bflag:$0x3] =	sbarrier.arrive $0xFFFF;
	s2 =	simm.s32 @!p0 $0x1C06  }
0x4f: {  	[timem:s3], [sflag:s2] =	dma.local @!p0 [hbm:s0], s1  }
0x50: {  	s0 =	simm.s32 @!p0 $0x6  }
0x51: {  	_ =	swait.ge @!p0 [sflag:s0], s1  }
0x52: {  	s1 =	ssub.s32 @!p0 $0x0, s1;
	[sflag:s0] =	ssyncset.done @!p0 $0x0  }
0x53: {  	[sflag:s0] =	ssyncadd.s32 @!p0 s1  }
0x54: {  	[bflag:$0x3] =	sbarrier.arrive $0xFFFF  }
0x55: {  	_ =	shalt  }

</sc_bundles>
